<compile_context>
chip_gen: v7x
topology: tpu7x:2x2x1
jax: 0.10.2.dev20260603
libtpu: 0.0.44.dev20260713+nightly
codegen_flags: <defaults>
</compile_context>

<pallas_src>
import jax
import jax.numpy as jnp
from jax.experimental import pallas as pl

_B = 64
_STRIDE = 4
_NG = _STRIDE + 1


def _attn_body(q_ref, k_ref, v_ref, o_ref):
    _, S, d = q_ref.shape
    nb = S // _B
    qf = q_ref[0]
    kb = k_ref[0].reshape(nb, _B, d)
    vb = v_ref[0].reshape(nb, _B, d)
    qb = qf.reshape(nb, _B, d)

    local = jax.lax.dot_general(
        qb, kb, (((2,), (2,)), ((0,), (0,))),
        preferred_element_type=jnp.float32)
    localf = local.reshape(S, _B)

    cols = (0,) + tuple(range(_B - _STRIDE, _B))
    gkf = jnp.concatenate([kb[:, c, :] for c in cols], axis=0)
    gvf = jnp.concatenate([vb[:, c, :] for c in cols], axis=0)

    gs = jax.lax.dot_general(
        qf, gkf, (((1,), (1,)), ((), ())),
        preferred_element_type=jnp.float32)

    m = jnp.maximum(jnp.max(localf, axis=1, keepdims=True),
                    jnp.max(gs, axis=1, keepdims=True))
    el = jnp.exp(localf - m)
    eg = jnp.exp(gs - m)
    den = (jnp.sum(el, axis=1, keepdims=True) +
           jnp.sum(eg, axis=1, keepdims=True))

    lout = jax.lax.dot_general(
        el.reshape(nb, _B, _B), vb, (((2,), (1,)), ((0,), (0,))),
        preferred_element_type=jnp.float32)
    gout = jax.lax.dot_general(
        eg, gvf, (((1,), (0,)), ((), ())),
        preferred_element_type=jnp.float32)

    o_ref[0] = (lout.reshape(S, d) + gout) / den


def kernel(query, key, value, mask):
    bs, H, S, d = query.shape
    BH = bs * H
    qf = query.reshape(BH, S, d)
    kf = key.reshape(BH, S, d)
    vf = value.reshape(BH, S, d)
    spec = pl.BlockSpec((1, S, d), lambda i: (i, 0, 0))
    out = pl.pallas_call(
        _attn_body,
        grid=(BH,),
        in_specs=[spec, spec, spec],
        out_specs=spec,
        out_shape=jax.ShapeDtypeStruct((BH, S, d), query.dtype),
    )(qf, kf, vf)
    return out.reshape(bs, H, S, d)

# --- scband reference (transcript-rebuilt; emitter-appended) ---
"""Pipeline reference for scband-sparse-self-attention-3040836845874 (READ-ONLY COPY).

The authoritative reference and input builder live on the scoring server;
editing this copy changes nothing except your own understanding.
"""

import jax, jax.numpy as jnp
import numpy as np

BLOCK_SIZE = 64
STRIDE_C = 4

def _get_global_index(seq_len, block_size, stride_c):
    r = np.arange(seq_len)
    k = r[np.newaxis, :]
    rem = np.remainder(k, block_size)
    return np.logical_or(rem == 0, rem >= block_size - stride_c)

def setup_inputs(seed: int = 0):
    key = jax.random.key(seed)
    k1, k2, k3 = jax.random.split(key, 3)
    bs, H, S, d = 2, 16, 4096, 64
    query = jax.random.normal(k1, (bs, H, S, d), dtype=jnp.float32)
    key_t = jax.random.normal(k2, (bs, H, S, d), dtype=jnp.float32)
    value = jax.random.normal(k3, (bs, H, S, d), dtype=jnp.float32)
    mask = jnp.ones((bs, S), dtype=jnp.float32)
    return {"query": query, "key": key_t, "value": value, "mask": mask}

def reference(query, key, value, mask):
    bs, H, S, d = query.shape
    B = BLOCK_SIZE
    nb = (S + B - 1) // B
    pad = nb * B - S
    q = jnp.pad(query, ((0, 0), (0, 0), (0, pad), (0, 0)))
    k = jnp.pad(key, ((0, 0), (0, 0), (0, pad), (0, 0)))
    v = jnp.pad(value, ((0, 0), (0, 0), (0, pad), (0, 0)))
    m = jnp.pad(mask, ((0, 0), (0, pad)))
    cur = S + pad
    bq = q.reshape(bs, H, nb, B, d)
    bk = k.reshape(bs, H, nb, B, d)
    local = jnp.einsum('shbxd,shbyd->shbxy', bq, bk).reshape(bs, H, cur, B)
    remove = (m == 0.0)
    fm = jnp.where(remove, -10000.0, 0.0).astype(q.dtype).reshape(bs, 1, nb, B)
    blm = jnp.broadcast_to(fm[:, :, :, None, :], (bs, 1, nb, B, B)).reshape(bs, 1, cur, B)
    local = local + blm
    unm = jnp.asarray(_get_global_index(cur, B, STRIDE_C))
    is_g = jnp.logical_and(m.astype(bool), unm)
    num_g = is_g.astype(jnp.int32).sum(axis=1)
    Z = int(np.sum(_get_global_index(cur, B, STRIDE_C)))
    g_b, g_s = jnp.nonzero(is_g, size=bs * Z)
    is_local_idx = jnp.arange(Z)[None, :] < num_g[:, None]
    l_b, l_z = jnp.nonzero(is_local_idx, size=bs * Z)
    n_b, n_z = jnp.nonzero(~is_local_idx, size=0)
    gk = jnp.zeros((bs, H, Z, d), q.dtype).at[l_b, :, l_z].set(k[g_b, :, g_s])
    gscores = jnp.einsum('shnd,shzd->shnz', q, gk)
    gscores = gscores.at[n_b, :, :, n_z].set(-10000.0)
    scores = jnp.concatenate([local, gscores], axis=-1)
    probs = jax.nn.softmax(scores.astype(jnp.float32), axis=-1)
    lp = probs[..., :B].reshape(bs, H, nb, B, B)
    bv = v.reshape(bs, H, nb, B, d)
    lout = jnp.matmul(lp, bv).reshape(bs, H, cur, d)
    gp = probs[..., B:]
    gv = jnp.zeros((bs, H, Z, d), q.dtype).at[l_b, :, l_z].set(v[g_b, :, g_s])
    gout = jnp.matmul(gp, gv)
    out = lout + gout
    return out[:, :, :S, :]

if __name__ == "__main__":
    import jax
    _d = setup_inputs()
    print(jax.jit(kernel)(*tuple(_d.values())))

</pallas_src>

<mosaic_0001>
module attributes {stable_mosaic.version = 14 : i64} {
  func.func @_attn_body(%arg0: i32, %arg1: memref<1x4096x64xf32, #tpu.memory_space<vmem>>, %arg2: memref<1x4096x64xf32, #tpu.memory_space<vmem>>, %arg3: memref<1x4096x64xf32, #tpu.memory_space<vmem>>, %arg4: memref<1x4096x64xf32, #tpu.memory_space<vmem>>) attributes {dimension_semantics = [#tpu.dimension_semantics<arbitrary>], iteration_bounds = array<i64: 32>, scalar_prefetch = 0 : i64, scratch_operands = 0 : i64, tpu.core_type = #tpu.core_type<tc>, window_params = [{transform_indices = @transform_0, window_bounds = array<i64: 1, 4096, 64>}, {transform_indices = @transform_1, window_bounds = array<i64: 1, 4096, 64>}, {transform_indices = @transform_2, window_bounds = array<i64: 1, 4096, 64>}, {transform_indices = @transform_3, window_bounds = array<i64: 1, 4096, 64>}]} {
    %get3A = arith.constant 0 : index
    %get3A_0 = arith.constant 0 : index
    %get3A_1 = arith.constant 0 : index
    %get3A_2 = vector.load %arg1[%get3A, %get3A_0, %get3A_1] : memref<1x4096x64xf32, #tpu.memory_space<vmem>>, vector<1x4096x64xf32>
    %get3A_3 = vector.shape_cast %get3A_2 : vector<1x4096x64xf32> to vector<4096x64xf32>
    %get3A_4 = arith.constant 0 : index
    %get3A_5 = arith.constant 0 : index
    %get3A_6 = arith.constant 0 : index
    %get3A_7 = vector.load %arg2[%get3A_4, %get3A_5, %get3A_6] : memref<1x4096x64xf32, #tpu.memory_space<vmem>>, vector<1x4096x64xf32>
    %get3A_8 = vector.shape_cast %get3A_7 : vector<1x4096x64xf32> to vector<4096x64xf32>
    %reshape3A = vector.shape_cast %get3A_8 : vector<4096x64xf32> to vector<64x64x64xf32>
    %get3A_9 = arith.constant 0 : index
    %get3A_10 = arith.constant 0 : index
    %get3A_11 = arith.constant 0 : index
    %get3A_12 = vector.load %arg3[%get3A_9, %get3A_10, %get3A_11] : memref<1x4096x64xf32, #tpu.memory_space<vmem>>, vector<1x4096x64xf32>
    %get3A_13 = vector.shape_cast %get3A_12 : vector<1x4096x64xf32> to vector<4096x64xf32>
    %reshape3A_14 = vector.shape_cast %get3A_13 : vector<4096x64xf32> to vector<64x64x64xf32>
    %reshape3A_15 = vector.shape_cast %get3A_3 : vector<4096x64xf32> to vector<64x64x64xf32>
    %dot_general3A = arith.constant dense<0.000000e+00> : vector<64x64x64xf32>
    %dot_general3A_16 = tpu.matmul %reshape3A_15, %reshape3A, %dot_general3A {dimension_numbers = #tpu.dot_dimension_numbers<[2], [2], [1], [1], [0, 0, 0, 1, 1, 1], [0], [0]>, transpose_lhs_hint = false} : vector<64x64x64xf32>, vector<64x64x64xf32>, vector<64x64x64xf32> -> vector<64x64x64xf32>
    %reshape3A_17 = vector.shape_cast %dot_general3A_16 : vector<64x64x64xf32> to vector<4096x64xf32>
    %slice3A = vector.extract_strided_slice %reshape3A {offsets = [0, 0, 0], sizes = [64, 1, 64], strides = [1, 1, 1]} : vector<64x64x64xf32> to vector<64x1x64xf32>
    %squeeze3A = vector.shape_cast %slice3A : vector<64x1x64xf32> to vector<64x64xf32>
    %slice3A_18 = vector.extract_strided_slice %reshape3A {offsets = [0, 60, 0], sizes = [64, 1, 64], strides = [1, 1, 1]} : vector<64x64x64xf32> to vector<64x1x64xf32>
    %squeeze3A_19 = vector.shape_cast %slice3A_18 : vector<64x1x64xf32> to vector<64x64xf32>
    %slice3A_20 = vector.extract_strided_slice %reshape3A {offsets = [0, 61, 0], sizes = [64, 1, 64], strides = [1, 1, 1]} : vector<64x64x64xf32> to vector<64x1x64xf32>
    %squeeze3A_21 = vector.shape_cast %slice3A_20 : vector<64x1x64xf32> to vector<64x64xf32>
    %slice3A_22 = vector.extract_strided_slice %reshape3A {offsets = [0, 62, 0], sizes = [64, 1, 64], strides = [1, 1, 1]} : vector<64x64x64xf32> to vector<64x1x64xf32>
    %squeeze3A_23 = vector.shape_cast %slice3A_22 : vector<64x1x64xf32> to vector<64x64xf32>
    %slice3A_24 = vector.extract_strided_slice %reshape3A {offsets = [0, 63, 0], sizes = [64, 1, 64], strides = [1, 1, 1]} : vector<64x64x64xf32> to vector<64x1x64xf32>
    %squeeze3A_25 = vector.shape_cast %slice3A_24 : vector<64x1x64xf32> to vector<64x64xf32>
    %concatenate3A = tpu.concatenate %squeeze3A, %squeeze3A_19, %squeeze3A_21, %squeeze3A_23, %squeeze3A_25 in 0 : vector<64x64xf32>, vector<64x64xf32>, vector<64x64xf32>, vector<64x64xf32>, vector<64x64xf32> -> vector<320x64xf32>
    %slice3A_26 = vector.extract_strided_slice %reshape3A_14 {offsets = [0, 0, 0], sizes = [64, 1, 64], strides = [1, 1, 1]} : vector<64x64x64xf32> to vector<64x1x64xf32>
    %squeeze3A_27 = vector.shape_cast %slice3A_26 : vector<64x1x64xf32> to vector<64x64xf32>
    %slice3A_28 = vector.extract_strided_slice %reshape3A_14 {offsets = [0, 60, 0], sizes = [64, 1, 64], strides = [1, 1, 1]} : vector<64x64x64xf32> to vector<64x1x64xf32>
    %squeeze3A_29 = vector.shape_cast %slice3A_28 : vector<64x1x64xf32> to vector<64x64xf32>
    %slice3A_30 = vector.extract_strided_slice %reshape3A_14 {offsets = [0, 61, 0], sizes = [64, 1, 64], strides = [1, 1, 1]} : vector<64x64x64xf32> to vector<64x1x64xf32>
    %squeeze3A_31 = vector.shape_cast %slice3A_30 : vector<64x1x64xf32> to vector<64x64xf32>
    %slice3A_32 = vector.extract_strided_slice %reshape3A_14 {offsets = [0, 62, 0], sizes = [64, 1, 64], strides = [1, 1, 1]} : vector<64x64x64xf32> to vector<64x1x64xf32>
    %squeeze3A_33 = vector.shape_cast %slice3A_32 : vector<64x1x64xf32> to vector<64x64xf32>
    %slice3A_34 = vector.extract_strided_slice %reshape3A_14 {offsets = [0, 63, 0], sizes = [64, 1, 64], strides = [1, 1, 1]} : vector<64x64x64xf32> to vector<64x1x64xf32>
    %squeeze3A_35 = vector.shape_cast %slice3A_34 : vector<64x1x64xf32> to vector<64x64xf32>
    %concatenate3A_36 = tpu.concatenate %squeeze3A_27, %squeeze3A_29, %squeeze3A_31, %squeeze3A_33, %squeeze3A_35 in 0 : vector<64x64xf32>, vector<64x64xf32>, vector<64x64xf32>, vector<64x64xf32>, vector<64x64xf32> -> vector<320x64xf32>
    %dot_general3A_37 = arith.constant dense<0.000000e+00> : vector<4096x320xf32>
    %dot_general3A_38 = tpu.matmul %get3A_3, %concatenate3A, %dot_general3A_37 {dimension_numbers = #tpu.dot_dimension_numbers<[1], [1], [0], [0], [0, 0, 1, 0], [], []>, transpose_lhs_hint = false} : vector<4096x64xf32>, vector<320x64xf32>, vector<4096x320xf32> -> vector<4096x320xf32>
    %reduce_max3A = arith.constant dense<0xFF800000> : vector<4096xf32>
    %reduce_max3A_39 = vector.multi_reduction <maximumf>, %reshape3A_17, %reduce_max3A [1] : vector<4096x64xf32> to vector<4096xf32>
    %broadcast_in_dim3A = vector.shape_cast %reduce_max3A_39 : vector<4096xf32> to vector<4096x1xf32>
    %reduce_max3A_40 = arith.constant dense<0xFF800000> : vector<4096xf32>
    %reduce_max3A_41 = vector.multi_reduction <maximumf>, %dot_general3A_38, %reduce_max3A_40 [1] : vector<4096x320xf32> to vector<4096xf32>
    %broadcast_in_dim3A_42 = vector.shape_cast %reduce_max3A_41 : vector<4096xf32> to vector<4096x1xf32>
    %max3A = arith.maximumf %broadcast_in_dim3A, %broadcast_in_dim3A_42 : vector<4096x1xf32>
    %sub3A = vector.broadcast %max3A : vector<4096x1xf32> to vector<4096x64xf32>
    %sub3A_43 = arith.subf %reshape3A_17, %sub3A : vector<4096x64xf32>
    %exp3A = math.exp %sub3A_43 : vector<4096x64xf32>
    %sub3A_44 = vector.broadcast %max3A : vector<4096x1xf32> to vector<4096x320xf32>
    %sub3A_45 = arith.subf %dot_general3A_38, %sub3A_44 : vector<4096x320xf32>
    %exp3A_46 = math.exp %sub3A_45 : vector<4096x320xf32>
    %reduce_sum3A = arith.constant dense<0.000000e+00> : vector<4096xf32>
    %reduce_sum3A_47 = vector.multi_reduction <add>, %exp3A, %reduce_sum3A [1] : vector<4096x64xf32> to vector<4096xf32>
    %broadcast_in_dim3A_48 = vector.shape_cast %reduce_sum3A_47 : vector<4096xf32> to vector<4096x1xf32>
    %reduce_sum3A_49 = arith.constant dense<0.000000e+00> : vector<4096xf32>
    %reduce_sum3A_50 = vector.multi_reduction <add>, %exp3A_46, %reduce_sum3A_49 [1] : vector<4096x320xf32> to vector<4096xf32>
    %broadcast_in_dim3A_51 = vector.shape_cast %reduce_sum3A_50 : vector<4096xf32> to vector<4096x1xf32>
    %add3A = arith.addf %broadcast_in_dim3A_48, %broadcast_in_dim3A_51 : vector<4096x1xf32>
    %reshape3A_52 = vector.shape_cast %exp3A : vector<4096x64xf32> to vector<64x64x64xf32>
    %dot_general3A_53 = arith.constant dense<0.000000e+00> : vector<64x64x64xf32>
    %dot_general3A_54 = tpu.matmul %reshape3A_52, %reshape3A_14, %dot_general3A_53 {dimension_numbers = #tpu.dot_dimension_numbers<[2], [1], [1], [2], [0, 0, 0, 1, 1, 2], [0], [0]>, transpose_lhs_hint = false} : vector<64x64x64xf32>, vector<64x64x64xf32>, vector<64x64x64xf32> -> vector<64x64x64xf32>
    %dot_general3A_55 = arith.constant dense<0.000000e+00> : vector<4096x64xf32>
    %dot_general3A_56 = tpu.matmul %exp3A_46, %concatenate3A_36, %dot_general3A_55 {dimension_numbers = #tpu.dot_dimension_numbers<[1], [0], [0], [1], [0, 0, 1, 1], [], []>, transpose_lhs_hint = false} : vector<4096x320xf32>, vector<320x64xf32>, vector<4096x64xf32> -> vector<4096x64xf32>
    %reshape3A_57 = vector.shape_cast %dot_general3A_54 : vector<64x64x64xf32> to vector<4096x64xf32>
    %add3A_58 = arith.addf %reshape3A_57, %dot_general3A_56 : vector<4096x64xf32>
    %div3A = vector.broadcast %add3A : vector<4096x1xf32> to vector<4096x64xf32>
    %div3A_59 = arith.divf %add3A_58, %div3A : vector<4096x64xf32>
    %swap3A = arith.constant 0 : index
    %swap3A_60 = arith.constant 0 : index
    %swap3A_61 = arith.constant 0 : index
    %swap3A_62 = vector.load %arg4[%swap3A, %swap3A_60, %swap3A_61] : memref<1x4096x64xf32, #tpu.memory_space<vmem>>, vector<1x4096x64xf32>
    %swap3A_63 = vector.shape_cast %swap3A_62 : vector<1x4096x64xf32> to vector<4096x64xf32>
    %swap3A_64 = vector.shape_cast %div3A_59 : vector<4096x64xf32> to vector<1x4096x64xf32>
    tpu.vector_store %arg4[%swap3A, %swap3A_60, %swap3A_61], %swap3A_64 {strides = array<i32>} : memref<1x4096x64xf32, #tpu.memory_space<vmem>>, vector<1x4096x64xf32>,
    return
  }
  func.func @transform_0(%arg0: i32) -> (i32, i32, i32) {
    %c0_i32 = arith.constant 0 : i32
    %c0_i32_0 = arith.constant 0 : i32
    %c0_i32_1 = arith.constant 0 : i32
    return %arg0, %c0_i32, %c0_i32_0 : i32, i32, i32
  }
  func.func @transform_1(%arg0: i32) -> (i32, i32, i32) {
    %c0_i32 = arith.constant 0 : i32
    %c0_i32_0 = arith.constant 0 : i32
    %c0_i32_1 = arith.constant 0 : i32
    return %arg0, %c0_i32, %c0_i32_0 : i32, i32, i32
  }
  func.func @transform_2(%arg0: i32) -> (i32, i32, i32) {
    %c0_i32 = arith.constant 0 : i32
    %c0_i32_0 = arith.constant 0 : i32
    %c0_i32_1 = arith.constant 0 : i32
    return %arg0, %c0_i32, %c0_i32_0 : i32, i32, i32
  }
  func.func @transform_3(%arg0: i32) -> (i32, i32, i32) {
    %c0_i32 = arith.constant 0 : i32
    %c0_i32_0 = arith.constant 0 : i32
    %c0_i32_1 = arith.constant 0 : i32
    return %arg0, %c0_i32, %c0_i32_0 : i32, i32, i32
  }
}

</mosaic_0001>

<sc_bundles>
// kernel: sparse-core-data-format-call.cloned.1.call-start
scs
called_computation_lowered:
.L_overlay_start_0:
0x0: {  	s2 =	sld [smem:$0x3FD9]  }
0x1: {  	s3 =	sld [smem:$0x3FFE];
	_ =	sdelay $0x1  }
0x2: {  	s1 =	srdreg.scid  }
0x3: {  	s0 =	sand.u32 $0x1, s1  }
0x4: {  	s18 =	sshll.u32 s0, $0xA;
	s2 =	sadd.s32 s3, s2  }
0x5: {  	s2 =	sadd.s32 s2, s18  }
0x6: {  	[smem:$0x3FC5] =	sst s2  }
0x7: {  	_ = 	snop  }
0x8: {  	s2 =	sld [smem:$0x3FD0];
	(tm) =	ssettm $0x1  }
0x9: {  	s19 =	sld [smem:$0x3FFB];
	_ =	sdelay $0x3  }
0xa: {  	_ =	strace s19  }
0xb: {  	s3 =	sld [smem:$0x3FFC];
	_ =	sdelay $0x3  }
0xc: {  	_ =	strace s3  }
0xd: {  	s3 =	sld [smem:$0x3FFD];
	_ =	sdelay $0x3  }
0xe: {  	_ =	strace s3  }
0xf: {  	_ =	strace $0x8FFFFFFF  }
0x10: {  	s20 =	sld [smem:$0x3FDB];
	_ =	sdelay $0x1  }
0x11: {  	s4 =	simm.s32 $_scs_section_size  }
0x12: {  	s5 =	simm.s32 $_size__tile_overlayer_lowered;
	s6 =	simm.s32 $_tile_overlayer_lowered  }
0x13: {  	s23 =	simm.s32 $0x1BFF;
	s22 =	sshll.u32 s6, $0x1;
	s3 =	sadd.s32 s4, s20  }
0x14: {  	s7 =	simm.s32 $0x0;
	s21 =	sshll.u32 s5, $0x1;
	s5 =	sadd.s32 s22, s3  }
0x15: {  	[timem:s7], [sflag:s23] =	dma.local [hbm:s5], s21  }
0x16: {  	_ =	swait.ge [sflag:s23], s21  }
0x17: {  	s4 =	ssub.s32 $0x0, s21;
	[sflag:s23] =	ssyncset.done $0x0  }
0x18: {  	[sflag:s23] =	ssyncadd.s32 s4;
	_ =	sdelay $0x1  }
0x19: {  	s24 =	simm.s32 $0x1B8B  }
0x1a: {  	_ =	swait.ge [sflag:s24], $0x1  }
0x1b: {  	[sflag:s24] =	ssyncset.done $0x0  }
0x1c: {  	s26 =	simm.s32 $0x1B8E;
	s25 =	sld [smem:$0x3FFE];
	[sflag:s24] =	ssyncadd.s32 $0xFFFFFFFF  }
0x1d: {  	s27 =	simm.s32 $execute0_lowered;
	[smem:$0x3FD2] =	sst s26  }
0x1e: {  	s5 =	sshll.u32 s27, $0x1;
	_ =	strace $0x80000046;
	[dreg:$0x1] =	wrdreg $0xFFFFFFFF  }
0x1f: {  	s28 =	simm.s32 $_size_execute0_lowered;
	s3 =	sadd.s32 s3, s5;
	[dreg:$0x0] =	wrdreg $0x0  }
0x20: {  	s5 =	sshll.u32 s28, $0x1;
	[dreg:$0x2] =	wrdreg s3  }
0x21: {  	[dreg:$0x3] =	wrdreg s5  }
0x22: {  	[dreg:$0x4] =	wrdreg $0xC0  }
0x23: {  	_ =	task [dreg:s7], $0x5FFFF  }
0x24: {  	[dreg:$0x1] =	wrdreg $0xFFFFFFFF  }
0x25: {  	[dreg:$0x0] =	wrdreg $0x60  }
0x26: {  	[dreg:$0x2] =	wrdreg s25  }
0x27: {  	[dreg:$0x3] =	wrdreg s2  }
0x28: {  	[dreg:$0x4] =	wrdreg $0x9  }
0x29: {  	_ =	task.clear_ibuf [dreg:s7], $0x5FFFF;
	_ =	strace $0x90000046  }
0x2a: {  	s29 =	simm.s32 $0x9;
	_ =	strace $0x80000048  }
0x2b: {  	_ =	swait.ge [sflag:s29], $0x1  }
0x2c: {  	[sflag:s29] =	ssyncadd.s32 $0xFFFFFFFF  }
0x2d: {  	_ =	strace $0x90000048  }
0x2e: {  	_ =	sfence  }
0x2f: {  	s30 =	sld [smem:$0x0];
	_ =	sdelay $0x2  }
0x30: {  	s31 =	sshll.u32 s1, $0xD;
	s1 =	sshrl.u32 s1, $0x2  }
0x31: {  	s3 =	sand.u32 $0x4000, s31;
	s1 =	sadd.s32 s1, s30  }
0x32: {  	s0 =	sor.u32 s3, s0;
	s1 =	sshll.u32 s1, $0x11  }
0x33: {  	s0 =	sor.u32 s1, s0  }
0x34: {  	s0 =	sadd.s32 $0x8F2B, s0  }
0x35: {  	[sflag:s0] =	ssyncadd.remote.s32 $0x1  }
0x36: {  	_ =	sfence.sel $0xFFFF  }
0x37: {  	[dreg:$0x0] =	wrdreg $0xFFFFFFFF;
	(pc) =	sbr.abs _section_cstart, $3  }
0x38: {  	[dreg:$0x1] =	wrdreg $0xFFFFFFFF  }
0x39: {  	_ =	task.clear_ibuf [dreg:s7], $0x2FFFF;
	_ =	strace $0x9FFFFFFF  }
0x3a: {  	(tm) =	ssettm $0x7FFFFFFF  }
0x3b: {  	_ =	shalt  }
tec
execute0_lowered:
.L_overlay_start_1:
0x0: {  	(tag) =	ssettag $0x1  }
0x1: {  	s9 =	rddreg [dreg:$0x0]  }
0x2: {  	s1 =	rddreg [dreg:$0x1];
	s0 =	stileid.u32  }
0x3: {  	s4 =	srdreg.scid;
	s31 =	simm.s32 $0x2;
	s16 =	simm.s32 $0x0  }
0x4: {  	s11 =	simm.s32 $0x8000;
	s17 =	simm.s32 $0x0;
	s18 =	simm.s32 $0x0  }
0x5: {  	s15 =	simm.s32 $0x0;
	s2 =	sand.u32 $0x1, s0;
	s3 =	sand.u32 $0xE, s0  }
0x6: {  	s4 =	sshll.u32 s4, $0x7;
	s5 =	ssub.s32 $0x2, s2;
	s6 =	ssub.s32 $0x10, s3  }
0x7: {  	s4 =	sand.u32 $0x80, s4;
	s13 =	smov.u32 s3;
	s8 =	sand.u32 $0xE, s6  }
0x8: {  	s7 =	sshrl.u32 s5, $0x1;
	p0 =	sne.s32 s8, $0x0;
	s8 =	simm.s32 $0x1  }
0x9: {  	s5 =	sand.u32 $0x1, s5;
	s6 =	sshrl.u32 s6, $0x4;
	s8 =	simm.s32 @!p0 $0x0  }
0xa: {  	s10 =	ssub.s32 $0x1000, s4;
	s5 =	sadd.s32 s5, s7;
	s6 =	sadd.s32 s8, s6  }
0xb: {  	s14 =	smov.u32 s2;
	s28 =	sshrl.u32 s10, $0x7;
	s30 =	smul.u32 s5, s6  }
.Ltmp0:
0xc: {  	s29 =	sshrl.u32 s10, $0x8;
	s7 =	sand.u32 $0x1, s28;
	(pc) =	sbr.rel .LBB1_1-.Ltmp0, $4  }
0xd: {  	s12 =	smov.u32 s4;
	s7 =	sadd.s32 s29, s7;
	s5 =	rddreg [dreg:$0x2]  }
0xe: {  	_ =	strace $0x80000047;
	s6 =	simm.s32 $0x1;
	s7 =	smul.u32 s7, s30  }
0xf: {  	p0 =	por $0x0, $0x0;
	s8 =	sadd.s32 $0x600400, s9;
	[sflag:s6] =	ssyncpa.u1 $0x0  }
0x10: {  	s9 =	sadd.s32 $0x610400, s9;
	[sflag:s31] =	ssyncpa.u1 $0x0;
	s10 =	sadd.s32 $0x1, s7  }
.LBB1_7:
0x11: {  	s19 =	sadd.s32 $0x100, s12  }
0x12: {  	s16 =	sadd.s32 $0x10, s13;
	s20 =	smov.u32 s13;
	p2 =	sgt.s32 s19, $0xFFF  }
0x13: {  	s20 =	smov.u32 @p2 s16  }
0x14: {  	s22 =	smov.u32 s14;
	s16 =	sadd.s32 $0x2, s14;
	p3 =	sgt.s32 s20, $0xF  }
0x15: {  	s22 =	smov.u32 @p3 s16  }
0x16: {  	s19 =	smov.u32 @p2 s4;
	p2 =	sgt.s32 s22, $0x1  }
0x17: {  	p1 =	slt.u32 s15, $0x2;
	s22 =	smov.u32 @p2 s2;
	p2 =	sne.s32 s15, s10  }
.Ltmp1:
0x18: {  	s21 =	simm.s32 @!p1 $0x2;
	(pc) =	sbr.rel @!p2 .LBB1_8-.Ltmp1, $4  }
0x19: {  	s17 =	smov.u32 s13;
	s18 =	smov.u32 s14;
	_ =	swait.ge @!p1 [sflag:s21], $0x4000  }
0x1a: {  	p0 =	por !p0, !p0;
	[sflag:s21] =	ssyncset.done @!p1 $0x0;
	s20 =	smov.u32 @p3 s3  }
0x1b: {  	s16 =	smov.u32 s12;
	[sflag:s21] =	ssyncadd.s32 @!p1 $0xFFFFC000;
	s12 =	smov.u32 s19  }
0x1c: {  	s13 =	smov.u32 s20;
	s15 =	sadd.s32 $0x1, s15;
	s14 =	smov.u32 s22  }
.LBB1_1:
0x1d: {  	p1 =	sge.u32 s15, s7  }
0x1e: {  	s19 =	sxor.u32 @!p1 $0xFFFFFFFF, s15;
	s20 =	sshll.u32 @!p1 s14, $0x14  }
0x1f: {  	s21 =	sshll.u32 @!p1 s13, $0x10;
	s23 =	sshll.u32 @!p1 s12, $0x4;
	s24 =	simm.s32 @!p1 $0x40  }
0x20: {  	s25 =	simm.s32 @!p1 $0x80;
	s19 =	sshll.u32 @!p1 s19, $0xE;
	s22 =	sadd.s32 @!p1 s20, s21  }
0x21: {  	s23 =	sand.u32 @!p1 $0xFFF0, s23;
	s20 =	sadd.s32 @!p1 s20, s9;
	s22 =	sadd.s32 @!p1 s8, s22  }
0x22: {  	s19 =	sand.u32 @!p1 $0x4000, s19;
	s20 =	sadd.s32 @!p1 s21, s20;
	s22 =	sadd.s32 @!p1 s23, s22  }
0x23: {  	[tilespmem:s19], [sflag:$0x1] =	stream.strided.gather @!p1 [hbm4b:s22+s24], $0x2000, s25, s24, $0x38;
	[tilespmem:$0x10100] =	vst v63  }
0x24: {  	s31 =	sadd.s32 $0xFFFFFFFF, s15;
	s20 =	sadd.s32 @!p1 s23, s20;
	s19 =	sor.u32 @!p1 $0x2000, s19  }
0x25: {  	[tilespmem:s19], [sflag:$0x1] =	stream.strided.gather @!p1 [hbm4b:s20+s24], $0x2000, s25, s24, $0x38;
	[tilespmem:$0x10100] =	vst v63  }
0x26: {  	p1 =	sge.u32 s31, s7  }
.Ltmp2:
0x27: {  	_ = 	snop;
	(pc) =	sbr.rel @p1 .LBB1_7-.Ltmp2, $1  }
0x28: {  	_ =	sdelay $0x3  }
0x29: {  	s19 =	simm.s32 $0x1;
	s21 =	sand.u32 $0x1, s15  }
0x2a: {  	_ =	swait.ge [sflag:s6], $0x4000;
	s19 =	simm.s32 @!p0 $0x0;
	s21 =	smul.u32 $0x10200, s21  }
0x2b: {  	p2 =	por $0x1, $0x1;
	[sflag:s6] =	ssyncset.done $0x0;
	s20 =	smul.u32 $0x10200, s19  }
0x2c: {  	s22 =	sshll.u32 s19, $0x10;
	[sflag:s6] =	ssyncadd.s32 $0xFFFFC000;
	s30 =	sshrl.u32 s21, $0x2  }
0x2d: {  	s31 =	sshrl.u32 s22, $0x2;
	s22 =	simm.s32 $0x0;
	s20 =	sshrl.u32 s20, $0x2  }
0x2e: {  	s19 =	sor.u32 $0x8000, s30;
	s21 =	sadd.s32 $0x20, s31;
	s20 =	sor.u32 $0x8000, s20  }
.LBB1_3:
0x2f: {  	s23 =	sshll.u32 s22, $0xD  }
0x30: {  	s23 =	sand.u32 $0x3FFFE000, s23  }
0x31: {  	s25 =	sadd.s32 s23, s21  }
0x32: {  	s31 =	smul.u32 $0x8100, s22;
	v3 =	vld [tilespmem:s25+$0x10]  }
0x33: {  	v1 =	vld [tilespmem:s25+$0xFFFFFFF0]  }
0x34: {  	s22 =	sshra.s32 s31, $0x2;
	v0 =	vld [tilespmem:s25+$0x0]  }
0x35: {  	s22 =	sadd.s32 s22, s20;
	v2 =	vld [tilespmem:s25+$0xFFFFFFE0]  }
0x36: {  	s23 =	sadd.s32 $0x0, s22  }
0x37: {  	p1 =	por p2, p2;
	s24 =	simm.s32 $0x4;
	s25 =	sadd.s32 $0x40, s25;
	[tilespmem:s23+$0x1830 ss:$0x81] =	vst.msk $0xffff, v3  }
.LBB1_4:
0x38: {  	v3 =	vld [tilespmem:s25+$0x10];
	p2 =	sne.s32 s24, $0x1FC;
	[tilespmem:s23+$0x810 ss:$0x81] =	vst.msk $0xffff, v1;
	s26 =	smov.u32 s24;
	s24 =	sadd.s32 $0x4, s24  }
.Ltmp3:
0x39: {  	v1 =	vld [tilespmem:s25+$0xFFFFFFF0];
	[tilespmem:s23+$0x1020 ss:$0x81] =	vst.msk $0xffff, v0;
	(pc) =	sbr.rel @p2 .LBB1_4-.Ltmp3, $4  }
0x3a: {  	v0 =	vld [tilespmem:s25+$0x0];
	[tilespmem:s23+$0x0 ss:$0x81] =	vst.msk $0xffff, v2  }
0x3b: {  	s23 =	sshra.s32 s26, $0x2;
	v2 =	vld [tilespmem:s25+$0xFFFFFFE0]  }
0x3c: {  	s23 =	sadd.s32 s23, s22  }
0x3d: {  	s25 =	sadd.s32 $0x40, s25;
	[tilespmem:s23+$0x1830 ss:$0x81] =	vst.msk $0xffff, v3  }
.Ltmp4:
0x3e: {  	(pc) =	sbr.rel @p1 .LBB1_3-.Ltmp4, $4  }
0x3f: {  	_ = 	snop  }
0x40: {  	[tilespmem:s23+$0x810 ss:$0x81] =	vst.msk $0xffff, v1  }
0x41: {  	[tilespmem:s23+$0x1020 ss:$0x81] =	vst.msk $0xffff, v0  }
0x42: {  	s22 =	simm.s32 $0x1;
	p2 =	por $0x0, $0x0;
	[tilespmem:s23+$0x0 ss:$0x81] =	vst.msk $0xffff, v2  }
0x43: {  	s20 =	sshll.u32 s16, $0x3;
	s21 =	sand.u32 $0x78, s16  }
0x44: {  	s18 =	sshll.u32 s18, $0x13;
	s17 =	sshll.u32 s17, $0xF;
	s29 =	sand.u32 $0x7E00, s16  }
.Ltmp5:
0x45: {  	s20 =	sand.u32 $0xC00, s20;
	s18 =	sadd.s32 s1, s18;
	(pc) =	sbr.rel .LBB1_7-.Ltmp5, $4  }
0x46: {  	s30 =	sand.u32 $0x7, s16;
	s20 =	sor.u32 s21, s20;
	s17 =	sadd.s32 s17, s18  }
0x47: {  	s16 =	sshll.u32 s30, $0x12;
	s31 =	sshrl.u32 s20, $0x3;
	s17 =	sadd.s32 s29, s17  }
0x48: {  	s16 =	sor.u32 $0x400, s16;
	s17 =	sadd.s32 s31, s17  }
0x49: {  	[hbm4b:s17+s16] =	stream.strided.scatter [tilespmem:s19], [sflag:$0x2], $0x4000, s11, s16, $0x20;
	[tilespmem:$0x10100] =	vst v63  }
.LBB1_8:
0x4a: {  	_ =	sfence.sel $0x180000  }
0x4b: {  	s1 =	simm.s32 $0x1;
	[bflag:$0x0] =	sbarrier.arrive $0xFFFF  }
0x4c: {  	s31 =	simm.s32 $0x2;
	[sflag:s1] =	ssyncpa.u1 $0x1  }
0x4d: {  	[sflag:s31] =	ssyncpa.u1 $0x1  }
0x4e: {  	p0 =	sne.s32 s0, $0x0;
	_ =	strace $0x90000047  }
0x4f: {  	s0 =	sadd.s32 @!p0 $0x100000, s5;
	[bflag:$0x2] =	sbarrier.arrive $0xFFFF  }
0x50: {  	[sflag:s0] =	ssyncadd.tile.s32 @!p0 $0x1;
	_ =	shalt  }
.Lfunc_end1:
_tile_overlayer_lowered:
.L_overlay_start_2:
0x51: {  	(tag) =	ssettag $0x2  }
0x52: {  	s0 =	rddreg [dreg:$0x0];
	s2 =	stileid.u32  }
0x53: {  	s1 =	rddreg [dreg:$0x1];
	p0 =	sne.s32 s2, $0x0  }
0x54: {  	s3 =	rddreg [dreg:$0x2];
	[bflag:$0x3] =	sbarrier.arrive $0xFFFF;
	s2 =	simm.s32 @!p0 $0x1C01  }
0x55: {  	[timem:s3], [sflag:s2] =	dma.local @!p0 [hbm:s0], s1  }
0x56: {  	s0 =	simm.s32 @!p0 $0x1  }
0x57: {  	_ =	swait.ge @!p0 [sflag:s0], s1  }
0x58: {  	s1 =	ssub.s32 @!p0 $0x0, s1;
	[sflag:s0] =	ssyncset.done @!p0 $0x0  }
0x59: {  	[sflag:s0] =	ssyncadd.s32 @!p0 s1  }
0x5a: {  	[bflag:$0x3] =	sbarrier.arrive $0xFFFF  }
0x5b: {  	_ =	shalt  }

</sc_bundles>
